<compile_context>
chip_gen: v7x
topology: tpu7x:2x2x1
jax: 0.10.2.dev20260603
libtpu: 0.0.44.dev20260713+nightly
codegen_flags: <defaults>
</compile_context>

<pallas_src>
import functools

import jax
import jax.numpy as jnp
from jax import lax
from jax.experimental import pallas as pl
from jax.experimental.pallas import tpu as pltpu
from jax.experimental.pallas import tpu_sc as plsc

_B, _N, _K, _D = 4, 4096, 1024, 64
_P = _B * _N
_ROW_BLK = 2048
_STEPS = _P // _ROW_BLK

_NC, _NS = 2, 16
_NW = _NC * _NS
_DBLK = 8
_L = 16


def _argmin_body(pts_ref, keys_ref, ids_ref):
    px = pts_ref[0:1, :]
    py = pts_ref[1:2, :]
    pz = pts_ref[2:3, :]
    kx = keys_ref[:, 0:1]
    ky = keys_ref[:, 1:2]
    kz = keys_ref[:, 2:3]
    d0 = px - kx
    d1 = py - ky
    d2 = pz - kz
    acc = (d0 * d0 + d1 * d1) + d2 * d2
    m = jnp.min(acc, axis=0, keepdims=True)
    io = lax.broadcasted_iota(jnp.int32, (_K, _ROW_BLK), 0)
    idx = jnp.min(jnp.where(acc <= m, io, _K), axis=0, keepdims=True)
    ids_ref[...] = idx.reshape(1, 1, _ROW_BLK)


def _tc_argmin(pts_t, keys):
    return pl.pallas_call(
        _argmin_body,
        grid=(_STEPS,),
        in_specs=[
            pl.BlockSpec((3, _ROW_BLK), lambda i: (0, i)),
            pl.BlockSpec((_K, 3), lambda i: (0, 0)),
        ],
        out_specs=pl.BlockSpec((1, 1, _ROW_BLK), lambda i: (i, 0, 0)),
        out_shape=jax.ShapeDtypeStruct((_STEPS, 1, _ROW_BLK), jnp.int32),
    )(pts_t, keys)


@functools.partial(
    pl.kernel,
    out_type=jax.ShapeDtypeStruct((_B, _D, _N), jnp.float32),
    mesh=plsc.VectorSubcoreMesh(core_axis_name="c", subcore_axis_name="s"),
    scratch_types=[
        pltpu.VMEM((_DBLK, _K), jnp.float32),
        pltpu.VMEM((_N,), jnp.int32),
        pltpu.VMEM((_DBLK, _N), jnp.float32),
    ],
    compiler_params=pltpu.CompilerParams(
        use_tc_tiling_on_sc=True, needs_layout_passes=False
    ),
)
def _sc_gather_t(values_t_hbm, idx_hbm, out_hbm, vt_v, ids_v, out_v):
    wid = lax.axis_index("s") * _NC + lax.axis_index("c")
    b = wid // (_D // _DBLK)
    t = wid % (_D // _DBLK)
    pltpu.sync_copy(values_t_hbm.at[pl.ds(t * _DBLK, _DBLK)], vt_v)
    pltpu.sync_copy(idx_hbm.at[pl.ds(b * _N, _N)], ids_v)

    @plsc.parallel_loop(0, _N // _L, unroll=4)
    def body(i):
        n0 = i * _L
        id16 = ids_v[pl.ds(n0, _L)]
        for d in range(_DBLK):
            vals = plsc.load_gather(
                vt_v, [jnp.full((_L,), d, jnp.int32), id16]
            )
            out_v[d, pl.ds(n0, _L)] = vals
    pltpu.sync_copy(out_v, out_hbm.at[b, pl.ds(t * _DBLK, _DBLK)])


def kernel(pointcloud, keys, values):
    pts_t = jnp.transpose(pointcloud, (2, 0, 1)).reshape(3, _P)
    ids = _tc_argmin(pts_t, keys)
    feats_t = _sc_gather_t(values.T, ids.reshape(_P))
    return jnp.transpose(feats_t, (0, 2, 1)), pointcloud

# --- scband reference (transcript-rebuilt; emitter-appended) ---
"""Pipeline reference for scband-quantized-embedding-backbone-84636625535420 (READ-ONLY COPY).

The authoritative reference and input builder live on the scoring server;
editing this copy changes nothing except your own understanding.
"""

import jax, jax.numpy as jnp
import numpy as np

B, N, K, D = 4, 4096, 1024, 64

def setup_inputs(seed: int = 0) -> dict:
    key = jax.random.key(seed)
    k1, k2, k3 = jax.random.split(key, 3)
    pointcloud = jax.random.uniform(k1, (B, N, 3), dtype=jnp.float32)
    keys = jax.random.uniform(k2, (K, 3), dtype=jnp.float32)
    values = jax.random.normal(k3, (K, D), dtype=jnp.float32)
    return {"pointcloud": pointcloud, "keys": keys, "values": values}

def reference(pointcloud, keys, values):
    # sample_points = 0 -> no FPS subsampling, no shuffle
    # nearest-voxel quantization: squared L2 distance to each voxel key
    dist = ((pointcloud[:, :, None, :] - keys[None, None, :, :]) ** 2).sum(-1)  # [B,N,K]
    ids = jnp.argmin(dist, axis=-1)  # [B,N]
    feats = jnp.take(values, ids, axis=0)  # embedding lookup [B,N,D]
    return (feats, pointcloud)

if __name__ == "__main__":
    import jax
    _d = setup_inputs()
    print(jax.jit(kernel)(*tuple(_d.values())))

</pallas_src>

<mosaic_0001>
#map = affine_map<(d0, d1) -> (0, 0)>
#map1 = affine_map<(d0, d1) -> (0)>
#map2 = affine_map<(d0, d1) -> (0, 0, 0)>
module attributes {stable_mosaic.version = 14 : i64} {
  func.func @_sc_gather_t(%arg0: i32, %arg1: i32, %arg2: memref<64x1024xf32, #tpu.memory_space<hbm>>, %arg3: memref<16384xi32, #tpu.memory_space<hbm>>, %arg4: memref<4x64x4096xf32, #tpu.memory_space<hbm>>, %arg5: memref<8x1024xf32, #tpu.memory_space<vmem>>, %arg6: memref<4096xi32, #tpu.memory_space<vmem>>, %arg7: memref<8x4096xf32, #tpu.memory_space<vmem>>) attributes {dimension_semantics = [#tpu.dimension_semantics<core_parallel>, #tpu.dimension_semantics<subcore_parallel>], iteration_bounds = array<i64: 2, 16>, scalar_prefetch = 0 : i64, scratch_operands = 3 : i64, tpu.core_type = #tpu.core_type<sc_vector_subcore>, window_params = [{transform_indices = #map}, {transform_indices = #map1}, {transform_indices = #map2}]} {
    %mul3A = arith.constant 2 : i32
    %mul3A_0 = arith.muli %arg1, %mul3A : i32
    %add3A = arith.addi %mul3A_0, %arg0 : i32
    %jit3A = arith.constant 8 : i32
    %div3A = arith.divsi %add3A, %jit3A : i32
    %sign3A = arith.constant 0 : i32
    %sign3A_1 = arith.cmpi sgt, %add3A, %sign3A : i32
    %sign3A_2 = arith.extui %sign3A_1 : i1 to i32
    %sign3A_3 = arith.constant 0 : i32
    %sign3A_4 = arith.cmpi slt, %add3A, %sign3A_3 : i32
    %sign3A_5 = arith.extui %sign3A_4 : i1 to i32
    %sign3A_6 = arith.subi %sign3A_2, %sign3A_5 : i32
    %sign3A_7 = arith.constant 0 : i32
    %sign3A_8 = arith.cmpi sgt, %jit3A, %sign3A_7 : i32
    %sign3A_9 = arith.extui %sign3A_8 : i1 to i32
    %sign3A_10 = arith.constant 0 : i32
    %sign3A_11 = arith.cmpi slt, %jit3A, %sign3A_10 : i32
    %sign3A_12 = arith.extui %sign3A_11 : i1 to i32
    %sign3A_13 = arith.subi %sign3A_9, %sign3A_12 : i32
    %ne3A = arith.cmpi ne, %sign3A_6, %sign3A_13 : i32
    %rem3A = arith.remsi %add3A, %jit3A : i32
    %ne3A_14 = arith.constant 0 : i32
    %ne3A_15 = arith.cmpi ne, %rem3A, %ne3A_14 : i32
    %and3A = arith.andi %ne3A, %ne3A_15 : i1
    %sub3A = arith.constant 1 : i32
    %sub3A_16 = arith.subi %div3A, %sub3A : i32
    %select_n3A = arith.select %and3A, %sub3A_16, %div3A : i32
    %jit3A_17 = arith.constant 8 : i32
    %eq3A = arith.constant 0 : i32
    %eq3A_18 = arith.cmpi eq, %jit3A_17, %eq3A : i32
    %jit3A_19 = arith.constant 1 : i32
    %select_n3A_20 = arith.select %eq3A_18, %jit3A_19, %jit3A_17 : i32
    %rem3A_21 = arith.remsi %add3A, %select_n3A_20 : i32
    %ne3A_22 = arith.constant 0 : i32
    %ne3A_23 = arith.cmpi ne, %rem3A_21, %ne3A_22 : i32
    %lt3A = arith.constant 0 : i32
    %lt3A_24 = arith.cmpi slt, %rem3A_21, %lt3A : i32
    %lt3A_25 = arith.constant 0 : i32
    %lt3A_26 = arith.cmpi slt, %select_n3A_20, %lt3A_25 : i32
    %ne3A_27 = arith.xori %lt3A_24, %lt3A_26 : i1
    %and3A_28 = arith.andi %ne3A_27, %ne3A_23 : i1
    %add3A_29 = arith.addi %rem3A_21, %select_n3A_20 : i32
    %select_n3A_30 = arith.select %and3A_28, %add3A_29, %rem3A_21 : i32
    %mul3A_31 = arith.constant 8 : i32
    %mul3A_32 = arith.muli %select_n3A_30, %mul3A_31 : i32
    "tpu.region"() ({
      %run_scoped3A = tpu.sem_alloc : memref<!tpu.dma_semaphore, #tpu.memory_space<semaphore_mem>>
      %dma_start3A = arith.constant 0 : i32
      %dma_start3A_39 = tpu.memref_slice %arg2[%mul3A_32, %dma_start3A] : memref<64x1024xf32, #tpu.memory_space<hbm>> -> memref<8x1024xf32, #tpu.memory_space<hbm>>
      %dma_start3A_40 = arith.constant 0 : i32
      %dma_start3A_41 = tpu.memref_slice %arg2[%mul3A_32, %dma_start3A_40] : memref<64x1024xf32, #tpu.memory_space<hbm>> -> memref<8x1024xf32, #tpu.memory_space<hbm>>
      tpu.enqueue_dma source(%dma_start3A_41 : memref<8x1024xf32, #tpu.memory_space<hbm>>) target(%arg5 : memref<8x1024xf32, #tpu.memory_space<vmem>>) target_semaphore(%run_scoped3A : memref<!tpu.dma_semaphore, #tpu.memory_space<semaphore_mem>>)
      %dma_wait3A = arith.constant 0 : i32
      %dma_wait3A_42 = tpu.memref_slice %arg2[%mul3A_32, %dma_wait3A] : memref<64x1024xf32, #tpu.memory_space<hbm>> -> memref<8x1024xf32, #tpu.memory_space<hbm>>
      %dma_wait3A_43 = arith.constant 0 : i32
      %dma_wait3A_44 = tpu.memref_slice %arg2[%mul3A_32, %dma_wait3A_43] : memref<64x1024xf32, #tpu.memory_space<hbm>> -> memref<8x1024xf32, #tpu.memory_space<hbm>>
      tpu.wait_dma2 semaphore(%run_scoped3A : memref<!tpu.dma_semaphore, #tpu.memory_space<semaphore_mem>>) src(%dma_wait3A_44 : memref<8x1024xf32, #tpu.memory_space<hbm>>) dst(%arg5 : memref<8x1024xf32, #tpu.memory_space<vmem>>)
      tpu.yield
    }) : () -> ()
    %mul3A_33 = arith.constant 4096 : i32
    %mul3A_34 = arith.muli %select_n3A, %mul3A_33 : i32
    "tpu.region"() ({
      %run_scoped3A = tpu.sem_alloc : memref<!tpu.dma_semaphore, #tpu.memory_space<semaphore_mem>>
      %dma_start3A = tpu.memref_slice %arg3[%mul3A_34] : memref<16384xi32, #tpu.memory_space<hbm>> -> memref<4096xi32, #tpu.memory_space<hbm>>
      %dma_start3A_39 = tpu.memref_slice %arg3[%mul3A_34] : memref<16384xi32, #tpu.memory_space<hbm>> -> memref<4096xi32, #tpu.memory_space<hbm>>
      tpu.enqueue_dma source(%dma_start3A_39 : memref<4096xi32, #tpu.memory_space<hbm>>) target(%arg6 : memref<4096xi32, #tpu.memory_space<vmem>>) target_semaphore(%run_scoped3A : memref<!tpu.dma_semaphore, #tpu.memory_space<semaphore_mem>>)
      %dma_wait3A = tpu.memref_slice %arg3[%mul3A_34] : memref<16384xi32, #tpu.memory_space<hbm>> -> memref<4096xi32, #tpu.memory_space<hbm>>
      %dma_wait3A_40 = tpu.memref_slice %arg3[%mul3A_34] : memref<16384xi32, #tpu.memory_space<hbm>> -> memref<4096xi32, #tpu.memory_space<hbm>>
      tpu.wait_dma2 semaphore(%run_scoped3A : memref<!tpu.dma_semaphore, #tpu.memory_space<semaphore_mem>>) src(%dma_wait3A_40 : memref<4096xi32, #tpu.memory_space<hbm>>) dst(%arg6 : memref<4096xi32, #tpu.memory_space<vmem>>)
      tpu.yield
    }) : () -> ()
    %parallel_loop3A = arith.constant 0 : i32
    %parallel_loop3A_35 = arith.constant 256 : i32
    %parallel_loop3A_36 = arith.constant 1 : i32
    scf.for %parallel_loop3A_39 = %parallel_loop3A to %parallel_loop3A_35 step %parallel_loop3A_36  : i32 {
      %parallel_loop3A_40 = arith.constant 16 : i32
      %parallel_loop3A_41 = arith.muli %parallel_loop3A_39, %parallel_loop3A_40 : i32
      %parallel_loop3A_42 = arith.index_cast %parallel_loop3A_41 : i32 to index
      %parallel_loop3A_43 = tpu.vector_load %arg6[%parallel_loop3A_42] {strides = array<i32>} : memref<4096xi32, #tpu.memory_space<vmem>>, vector<16xi32>,
      %parallel_loop3A_44 = arith.constant 0 : i32
      %parallel_loop3A_45 = vector.broadcast %parallel_loop3A_44 : i32 to vector<16xi32>
      %parallel_loop3A_46 = tpu.vector_load_idx %arg5[%parallel_loop3A_45, %parallel_loop3A_43] : memref<8x1024xf32, #tpu.memory_space<vmem>>[vector<16xi32>, vector<16xi32>], vector<16xf32>,
      %parallel_loop3A_47 = arith.constant 0 : i32
      %parallel_loop3A_48 = arith.index_cast %parallel_loop3A_47 : i32 to index
      %parallel_loop3A_49 = arith.index_cast %parallel_loop3A_41 : i32 to index
      %parallel_loop3A_50 = tpu.vector_load %arg7[%parallel_loop3A_48, %parallel_loop3A_49] {strides = array<i32>} : memref<8x4096xf32, #tpu.memory_space<vmem>>, vector<16xf32>,
      tpu.vector_store %arg7[%parallel_loop3A_48, %parallel_loop3A_49], %parallel_loop3A_46 {strides = array<i32>} : memref<8x4096xf32, #tpu.memory_space<vmem>>, vector<16xf32>,
      %parallel_loop3A_51 = arith.constant 1 : i32
      %parallel_loop3A_52 = vector.broadcast %parallel_loop3A_51 : i32 to vector<16xi32>
      %parallel_loop3A_53 = tpu.vector_load_idx %arg5[%parallel_loop3A_52, %parallel_loop3A_43] : memref<8x1024xf32, #tpu.memory_space<vmem>>[vector<16xi32>, vector<16xi32>], vector<16xf32>,
      %parallel_loop3A_54 = arith.constant 1 : i32
      %parallel_loop3A_55 = arith.index_cast %parallel_loop3A_54 : i32 to index
      %parallel_loop3A_56 = arith.index_cast %parallel_loop3A_41 : i32 to index
      %parallel_loop3A_57 = tpu.vector_load %arg7[%parallel_loop3A_55, %parallel_loop3A_56] {strides = array<i32>} : memref<8x4096xf32, #tpu.memory_space<vmem>>, vector<16xf32>,
      tpu.vector_store %arg7[%parallel_loop3A_55, %parallel_loop3A_56], %parallel_loop3A_53 {strides = array<i32>} : memref<8x4096xf32, #tpu.memory_space<vmem>>, vector<16xf32>,
      %parallel_loop3A_58 = arith.constant 2 : i32
      %parallel_loop3A_59 = vector.broadcast %parallel_loop3A_58 : i32 to vector<16xi32>
      %parallel_loop3A_60 = tpu.vector_load_idx %arg5[%parallel_loop3A_59, %parallel_loop3A_43] : memref<8x1024xf32, #tpu.memory_space<vmem>>[vector<16xi32>, vector<16xi32>], vector<16xf32>,
      %parallel_loop3A_61 = arith.constant 2 : i32
      %parallel_loop3A_62 = arith.index_cast %parallel_loop3A_61 : i32 to index
      %parallel_loop3A_63 = arith.index_cast %parallel_loop3A_41 : i32 to index
      %parallel_loop3A_64 = tpu.vector_load %arg7[%parallel_loop3A_62, %parallel_loop3A_63] {strides = array<i32>} : memref<8x4096xf32, #tpu.memory_space<vmem>>, vector<16xf32>,
      tpu.vector_store %arg7[%parallel_loop3A_62, %parallel_loop3A_63], %parallel_loop3A_60 {strides = array<i32>} : memref<8x4096xf32, #tpu.memory_space<vmem>>, vector<16xf32>,
      %parallel_loop3A_65 = arith.constant 3 : i32
      %parallel_loop3A_66 = vector.broadcast %parallel_loop3A_65 : i32 to vector<16xi32>
      %parallel_loop3A_67 = tpu.vector_load_idx %arg5[%parallel_loop3A_66, %parallel_loop3A_43] : memref<8x1024xf32, #tpu.memory_space<vmem>>[vector<16xi32>, vector<16xi32>], vector<16xf32>,
      %parallel_loop3A_68 = arith.constant 3 : i32
      %parallel_loop3A_69 = arith.index_cast %parallel_loop3A_68 : i32 to index
      %parallel_loop3A_70 = arith.index_cast %parallel_loop3A_41 : i32 to index
      %parallel_loop3A_71 = tpu.vector_load %arg7[%parallel_loop3A_69, %parallel_loop3A_70] {strides = array<i32>} : memref<8x4096xf32, #tpu.memory_space<vmem>>, vector<16xf32>,
      tpu.vector_store %arg7[%parallel_loop3A_69, %parallel_loop3A_70], %parallel_loop3A_67 {strides = array<i32>} : memref<8x4096xf32, #tpu.memory_space<vmem>>, vector<16xf32>,
      %parallel_loop3A_72 = arith.constant 4 : i32
      %parallel_loop3A_73 = vector.broadcast %parallel_loop3A_72 : i32 to vector<16xi32>
      %parallel_loop3A_74 = tpu.vector_load_idx %arg5[%parallel_loop3A_73, %parallel_loop3A_43] : memref<8x1024xf32, #tpu.memory_space<vmem>>[vector<16xi32>, vector<16xi32>], vector<16xf32>,
      %parallel_loop3A_75 = arith.constant 4 : i32
      %parallel_loop3A_76 = arith.index_cast %parallel_loop3A_75 : i32 to index
      %parallel_loop3A_77 = arith.index_cast %parallel_loop3A_41 : i32 to index
      %parallel_loop3A_78 = tpu.vector_load %arg7[%parallel_loop3A_76, %parallel_loop3A_77] {strides = array<i32>} : memref<8x4096xf32, #tpu.memory_space<vmem>>, vector<16xf32>,
      tpu.vector_store %arg7[%parallel_loop3A_76, %parallel_loop3A_77], %parallel_loop3A_74 {strides = array<i32>} : memref<8x4096xf32, #tpu.memory_space<vmem>>, vector<16xf32>,
      %parallel_loop3A_79 = arith.constant 5 : i32
      %parallel_loop3A_80 = vector.broadcast %parallel_loop3A_79 : i32 to vector<16xi32>
      %parallel_loop3A_81 = tpu.vector_load_idx %arg5[%parallel_loop3A_80, %parallel_loop3A_43] : memref<8x1024xf32, #tpu.memory_space<vmem>>[vector<16xi32>, vector<16xi32>], vector<16xf32>,
      %parallel_loop3A_82 = arith.constant 5 : i32
      %parallel_loop3A_83 = arith.index_cast %parallel_loop3A_82 : i32 to index
      %parallel_loop3A_84 = arith.index_cast %parallel_loop3A_41 : i32 to index
      %parallel_loop3A_85 = tpu.vector_load %arg7[%parallel_loop3A_83, %parallel_loop3A_84] {strides = array<i32>} : memref<8x4096xf32, #tpu.memory_space<vmem>>, vector<16xf32>,
      tpu.vector_store %arg7[%parallel_loop3A_83, %parallel_loop3A_84], %parallel_loop3A_81 {strides = array<i32>} : memref<8x4096xf32, #tpu.memory_space<vmem>>, vector<16xf32>,
      %parallel_loop3A_86 = arith.constant 6 : i32
      %parallel_loop3A_87 = vector.broadcast %parallel_loop3A_86 : i32 to vector<16xi32>
      %parallel_loop3A_88 = tpu.vector_load_idx %arg5[%parallel_loop3A_87, %parallel_loop3A_43] : memref<8x1024xf32, #tpu.memory_space<vmem>>[vector<16xi32>, vector<16xi32>], vector<16xf32>,
      %parallel_loop3A_89 = arith.constant 6 : i32
      %parallel_loop3A_90 = arith.index_cast %parallel_loop3A_89 : i32 to index
      %parallel_loop3A_91 = arith.index_cast %parallel_loop3A_41 : i32 to index
      %parallel_loop3A_92 = tpu.vector_load %arg7[%parallel_loop3A_90, %parallel_loop3A_91] {strides = array<i32>} : memref<8x4096xf32, #tpu.memory_space<vmem>>, vector<16xf32>,
      tpu.vector_store %arg7[%parallel_loop3A_90, %parallel_loop3A_91], %parallel_loop3A_88 {strides = array<i32>} : memref<8x4096xf32, #tpu.memory_space<vmem>>, vector<16xf32>,
      %parallel_loop3A_93 = arith.constant 7 : i32
      %parallel_loop3A_94 = vector.broadcast %parallel_loop3A_93 : i32 to vector<16xi32>
      %parallel_loop3A_95 = tpu.vector_load_idx %arg5[%parallel_loop3A_94, %parallel_loop3A_43] : memref<8x1024xf32, #tpu.memory_space<vmem>>[vector<16xi32>, vector<16xi32>], vector<16xf32>,
      %parallel_loop3A_96 = arith.constant 7 : i32
      %parallel_loop3A_97 = arith.index_cast %parallel_loop3A_96 : i32 to index
      %parallel_loop3A_98 = arith.index_cast %parallel_loop3A_41 : i32 to index
      %parallel_loop3A_99 = tpu.vector_load %arg7[%parallel_loop3A_97, %parallel_loop3A_98] {strides = array<i32>} : memref<8x4096xf32, #tpu.memory_space<vmem>>, vector<16xf32>,
      tpu.vector_store %arg7[%parallel_loop3A_97, %parallel_loop3A_98], %parallel_loop3A_95 {strides = array<i32>} : memref<8x4096xf32, #tpu.memory_space<vmem>>, vector<16xf32>,
    } {sc.loop_unroll_factor = 4 : i64, sc.parallel_access}
    %mul3A_37 = arith.constant 8 : i32
    %mul3A_38 = arith.muli %select_n3A_30, %mul3A_37 : i32
    "tpu.region"() ({
      %run_scoped3A = tpu.sem_alloc : memref<!tpu.dma_semaphore, #tpu.memory_space<semaphore_mem>>
      %dma_start3A = arith.constant 0 : i32
      %dma_start3A_39 = tpu.memref_slice %arg4[%select_n3A, %mul3A_38, %dma_start3A] : memref<4x64x4096xf32, #tpu.memory_space<hbm>> -> memref<1x8x4096xf32, #tpu.memory_space<hbm>>
      %dma_start3A_40 = tpu.memref_squeeze %dma_start3A_39 : memref<1x8x4096xf32, #tpu.memory_space<hbm>> -> memref<8x4096xf32, #tpu.memory_space<hbm>>
      %dma_start3A_41 = arith.constant 0 : i32
      %dma_start3A_42 = tpu.memref_slice %arg4[%select_n3A, %mul3A_38, %dma_start3A_41] : memref<4x64x4096xf32, #tpu.memory_space<hbm>> -> memref<1x8x4096xf32, #tpu.memory_space<hbm>>
      %dma_start3A_43 = tpu.memref_squeeze %dma_start3A_42 : memref<1x8x4096xf32, #tpu.memory_space<hbm>> -> memref<8x4096xf32, #tpu.memory_space<hbm>>
      tpu.enqueue_dma source(%arg7 : memref<8x4096xf32, #tpu.memory_space<vmem>>) target(%dma_start3A_43 : memref<8x4096xf32, #tpu.memory_space<hbm>>) target_semaphore(%run_scoped3A : memref<!tpu.dma_semaphore, #tpu.memory_space<semaphore_mem>>)
      %dma_wait3A = arith.constant 0 : i32
      %dma_wait3A_44 = tpu.memref_slice %arg4[%select_n3A, %mul3A_38, %dma_wait3A] : memref<4x64x4096xf32, #tpu.memory_space<hbm>> -> memref<1x8x4096xf32, #tpu.memory_space<hbm>>
      %dma_wait3A_45 = tpu.memref_squeeze %dma_wait3A_44 : memref<1x8x4096xf32, #tpu.memory_space<hbm>> -> memref<8x4096xf32, #tpu.memory_space<hbm>>
      %dma_wait3A_46 = arith.constant 0 : i32
      %dma_wait3A_47 = tpu.memref_slice %arg4[%select_n3A, %mul3A_38, %dma_wait3A_46] : memref<4x64x4096xf32, #tpu.memory_space<hbm>> -> memref<1x8x4096xf32, #tpu.memory_space<hbm>>
      %dma_wait3A_48 = tpu.memref_squeeze %dma_wait3A_47 : memref<1x8x4096xf32, #tpu.memory_space<hbm>> -> memref<8x4096xf32, #tpu.memory_space<hbm>>
      tpu.wait_dma2 semaphore(%run_scoped3A : memref<!tpu.dma_semaphore, #tpu.memory_space<semaphore_mem>>) src(%arg7 : memref<8x4096xf32, #tpu.memory_space<vmem>>) dst(%dma_wait3A_48 : memref<8x4096xf32, #tpu.memory_space<hbm>>)
      tpu.yield
    }) : () -> ()
    return
  }
}

module attributes {stable_mosaic.version = 14 : i64} {
  func.func @_argmin_body(%arg0: i32, %arg1: memref<3x2048xf32, #tpu.memory_space<vmem>>, %arg2: memref<1024x3xf32, #tpu.memory_space<vmem>>, %arg3: memref<1x1x2048xi32, #tpu.memory_space<vmem>>) attributes {dimension_semantics = [#tpu.dimension_semantics<arbitrary>], iteration_bounds = array<i64: 8>, scalar_prefetch = 0 : i64, scratch_operands = 0 : i64, tpu.core_type = #tpu.core_type<tc>, window_params = [{transform_indices = @transform_0, window_bounds = array<i64: 3, 2048>}, {pipeline_mode = #tpu.pipeline_mode<synchronous>, transform_indices = @transform_1, window_bounds = array<i64: 1024, 3>}, {transform_indices = @transform_2, window_bounds = array<i64: 1, 1, 2048>}]} {
    %get3A = arith.constant 0 : index
    %get3A_0 = arith.constant 0 : index
    %get3A_1 = vector.load %arg1[%get3A, %get3A_0] : memref<3x2048xf32, #tpu.memory_space<vmem>>, vector<1x2048xf32>
    %get3A_2 = arith.constant 1 : index
    %get3A_3 = arith.constant 0 : index
    %get3A_4 = vector.load %arg1[%get3A_2, %get3A_3] : memref<3x2048xf32, #tpu.memory_space<vmem>>, vector<1x2048xf32>
    %get3A_5 = arith.constant 2 : index
    %get3A_6 = arith.constant 0 : index
    %get3A_7 = vector.load %arg1[%get3A_5, %get3A_6] : memref<3x2048xf32, #tpu.memory_space<vmem>>, vector<1x2048xf32>
    %get3A_8 = arith.constant 0 : index
    %get3A_9 = arith.constant 0 : index
    %get3A_10 = vector.load %arg2[%get3A_8, %get3A_9] : memref<1024x3xf32, #tpu.memory_space<vmem>>, vector<1024x1xf32>
    %get3A_11 = arith.constant 0 : index
    %get3A_12 = arith.constant 1 : index
    %get3A_13 = vector.load %arg2[%get3A_11, %get3A_12] : memref<1024x3xf32, #tpu.memory_space<vmem>>, vector<1024x1xf32>
    %get3A_14 = arith.constant 0 : index
    %get3A_15 = arith.constant 2 : index
    %get3A_16 = vector.load %arg2[%get3A_14, %get3A_15] : memref<1024x3xf32, #tpu.memory_space<vmem>>, vector<1024x1xf32>
    %sub3A = vector.broadcast %get3A_1 : vector<1x2048xf32> to vector<1024x2048xf32>
    %sub3A_17 = vector.broadcast %get3A_10 : vector<1024x1xf32> to vector<1024x2048xf32>
    %sub3A_18 = arith.subf %sub3A, %sub3A_17 : vector<1024x2048xf32>
    %sub3A_19 = vector.broadcast %get3A_4 : vector<1x2048xf32> to vector<1024x2048xf32>
    %sub3A_20 = vector.broadcast %get3A_13 : vector<1024x1xf32> to vector<1024x2048xf32>
    %sub3A_21 = arith.subf %sub3A_19, %sub3A_20 : vector<1024x2048xf32>
    %sub3A_22 = vector.broadcast %get3A_7 : vector<1x2048xf32> to vector<1024x2048xf32>
    %sub3A_23 = vector.broadcast %get3A_16 : vector<1024x1xf32> to vector<1024x2048xf32>
    %sub3A_24 = arith.subf %sub3A_22, %sub3A_23 : vector<1024x2048xf32>
    %mul3A = arith.mulf %sub3A_18, %sub3A_18 : vector<1024x2048xf32>
    %mul3A_25 = arith.mulf %sub3A_21, %sub3A_21 : vector<1024x2048xf32>
    %add3A = arith.addf %mul3A, %mul3A_25 : vector<1024x2048xf32>
    %mul3A_26 = arith.mulf %sub3A_24, %sub3A_24 : vector<1024x2048xf32>
    %add3A_27 = arith.addf %add3A, %mul3A_26 : vector<1024x2048xf32>
    %reduce_min3A = arith.constant dense<0x7F800000> : vector<2048xf32>
    %reduce_min3A_28 = vector.multi_reduction <minimumf>, %add3A_27, %reduce_min3A [0] : vector<1024x2048xf32> to vector<2048xf32>
    %broadcast_in_dim3A = vector.shape_cast %reduce_min3A_28 : vector<2048xf32> to vector<1x2048xf32>
    %iota3A = tpu.iota {dimensions = array<i32: 0>} : vector<1024x2048xi32>
    %le3A = vector.broadcast %broadcast_in_dim3A : vector<1x2048xf32> to vector<1024x2048xf32>
    %le3A_29 = arith.cmpf ole, %add3A_27, %le3A : vector<1024x2048xf32>
    %jit3A = arith.constant 1024 : i32
    %broadcast_in_dim3A_30 = vector.broadcast %jit3A : i32 to vector<1024x2048xi32>
    %select_n3A = arith.select %le3A_29, %iota3A, %broadcast_in_dim3A_30 : vector<1024x2048xi1>, vector<1024x2048xi32>
    %reduce_min3A_31 = arith.constant dense<2147483647> : vector<2048xi32>
    %reduce_min3A_32 = vector.multi_reduction <minsi>, %select_n3A, %reduce_min3A_31 [0] : vector<1024x2048xi32> to vector<2048xi32>
    %broadcast_in_dim3A_33 = vector.shape_cast %reduce_min3A_32 : vector<2048xi32> to vector<1x2048xi32>
    %reshape3A = vector.shape_cast %broadcast_in_dim3A_33 : vector<1x2048xi32> to vector<1x1x2048xi32>
    %swap3A = arith.constant 0 : index
    %swap3A_34 = arith.constant 0 : index
    %swap3A_35 = arith.constant 0 : index
    %swap3A_36 = vector.load %arg3[%swap3A, %swap3A_34, %swap3A_35] : memref<1x1x2048xi32, #tpu.memory_space<vmem>>, vector<1x1x2048xi32>
    tpu.vector_store %arg3[%swap3A, %swap3A_34, %swap3A_35], %reshape3A {strides = array<i32>} : memref<1x1x2048xi32, #tpu.memory_space<vmem>>, vector<1x1x2048xi32>,
    return
  }
  func.func @transform_0(%arg0: i32) -> (i32, i32) {
    %c0_i32 = arith.constant 0 : i32
    %c0_i32_0 = arith.constant 0 : i32
    return %c0_i32, %arg0 : i32, i32
  }
  func.func @transform_1(%arg0: i32) -> (i32, i32) {
    %c0_i32 = arith.constant 0 : i32
    %c0_i32_0 = arith.constant 0 : i32
    %c0_i32_1 = arith.constant 0 : i32
    return %c0_i32, %c0_i32_0 : i32, i32
  }
  func.func @transform_2(%arg0: i32) -> (i32, i32, i32) {
    %c0_i32 = arith.constant 0 : i32
    %c0_i32_0 = arith.constant 0 : i32
    %c0_i32_1 = arith.constant 0 : i32
    return %arg0, %c0_i32, %c0_i32_0 : i32, i32, i32
  }
}

</mosaic_0001>

<sc_bundles>
// kernel: kernel.4.cloned.1.call-start
scs
__scs_entry_jumppad:
0x0: {  	(pc) =	sbr.rel $0x88, $3  }
0x1: {  	(tag) =	ssettag $0x0;
	lr =	simm.s32 $0x1  }
0x2: {  	[smem:$0x3F9E] =	sst lr;
	_ =	strace $0xD0000000  }
0x3: {  	_ = 	snop  }
0x4: {  	_ = 	snop  }
0x5: {  	_ = 	snop  }
0x6: {  	_ = 	snop  }
0x7: {  	_ = 	snop  }
__scs_overlays_trampoline_lowered:
0x8: {  	[smem:$0x3FAD] =	sst s0  }
0x9: {  	[smem:$0x3FAE] =	sst s1  }
0xa: {  	[smem:$0x3FAF] =	sst s2  }
0xb: {  	[smem:$0x3FB0] =	sst s3  }
0xc: {  	[smem:$0x3FB1] =	sst s4  }
0xd: {  	[smem:$0x3FB2] =	sst s5  }
0xe: {  	[smem:$0x3FB3] =	sst s6  }
0xf: {  	[smem:$0x3FB4] =	sst s7  }
0x10: {  	[smem:$0x3FB5] =	sst s8  }
0x11: {  	[smem:$0x3FB6] =	sst s9;
	s0 =	simm.s32 @!p0 $0x0  }
0x12: {  	s1 =	sld [smem:$0x3F9C];
	s0 =	simm.s32 @p0 $0x1  }
0x13: {  	[smem:$0x3FB7] =	sst s0;
	s0 =	simm.s32 @!p1 $0x0  }
0x14: {  	s2 =	sld [smem:$0x3F9B];
	s0 =	simm.s32 @p1 $0x1  }
0x15: {  	[smem:$0x3FB8] =	sst s0;
	s0 =	simm.s32 @!p2 $0x0  }
0x16: {  	s3 =	sld [smem:$0x3FDB];
	s0 =	simm.s32 @p2 $0x1  }
0x17: {  	s4 =	simm.s32 $0x1BF5;
	[smem:$0x3FBA] =	sst s0  }
0x18: {  	s0 =	sld [smem:$0x3F9D];
	_ =	swait.ge [sflag:s4], $0x0  }
0x19: {  	s7 =	sld [smem:$0x3F9E]  }
0x1a: {  	s8 =	sadd.s32 $0xFFFFE003, lr  }
0x1b: {  	s9 =	sadd.s32 $0xFFFFFEF7, lr;
	s5 =	simm.s32 $0xFFFFFFFF;
	p2 =	slt.u32 s8, $0xFFFFF086  }
0x1c: {  	p1 =	slt.u32 s9, $0xF7A;
	s5 =	simm.s32 @!p2 $0x0  }
0x1d: {  	s5 =	simm.s32 @p1 $0x1;
	p0 =	seq.s32 s7, s2  }
0x1e: {  	s7 =	smul.u32 @!p0 $0xF7A, s2;
	p2 =	seq.s32 @!p0 s5, $0x0  }
0x1f: {  	s9 =	smul.u32 $0xF7A, s1;
	s8 =	simm.s32 @!p0 $0x1BF5;
	p2 =	por !p2, p0  }
0x20: {  	[sflag:s8] =	ssyncset.s32 @!p0 $0xFFFFF086;
	s6 =	sadd.s32 @!p0 s3, s7;
	s7 =	simm.s32 @!p0 $0x108  }
0x21: {  	s3 =	sadd.s32 s3, s9;
	s6 =	sadd.s32 @!p0 $0x88, s6;
	s7 =	simm.s32 @p2 $0x1082  }
0x22: {  	[simem:s7], [sflag:s8] =	dma.local @!p0 [hbm:s6], $0xF7A  }
0x23: {  	s9 =	sor.u32 $0xD0000000, s2;
	s6 =	simm.s32 $0x108;
	_ =	swait.ge @!p0 [sflag:s8], $0x0  }
0x24: {  	s3 =	sadd.s32 $0x88, s3;
	s6 =	simm.s32 @!p1 $0x1082;
	[sflag:s4] =	ssyncset.s32 $0xFFFFF086  }
0x25: {  	[simem:s6], [sflag:s4] =	dma.local [hbm:s3], $0xF7A  }
0x26: {  	[smem:$0x3F9E] =	sst s1;
	(tag) =	ssettag s2;
	_ =	strace s9  }
0x27: {  	s1 =	sld [smem:$0x3FAE]  }
0x28: {  	s2 =	sld [smem:$0x3FAF]  }
0x29: {  	s4 =	sld [smem:$0x3FB1]  }
0x2a: {  	p0 =	seq.s32 s5, $0x0;
	s5 =	sld [smem:$0x3FB2]  }
0x2b: {  	s6 =	sld [smem:$0x3FB3]  }
0x2c: {  	s7 =	sld [smem:$0x3FB4]  }
0x2d: {  	s3 =	simm.s32 $0x108;
	s8 =	sld [smem:$0x3FB5]  }
0x2e: {  	s3 =	simm.s32 @!p0 $0x1082;
	s9 =	sld [smem:$0x3FB6]  }
0x2f: {  	lr =	sadd.s32 s0, s3;
	s0 =	sld [smem:$0x3FAD]  }
0x30: {  	s3 =	sld [smem:$0x3FB0]  }
0x31: {  	[smem:$0x3FB9] =	sst s10  }
0x32: {  	s10 =	sld [smem:$0x3FB7];
	_ =	sdelay $0x3  }
0x33: {  	p0 =	seq.s32 s10, $0x1;
	s10 =	sld [smem:$0x3FB9];
	_ =	sdelay $0x3  }
0x34: {  	[smem:$0x3FB9] =	sst s10  }
0x35: {  	s10 =	sld [smem:$0x3FB8];
	_ =	sdelay $0x3  }
0x36: {  	p1 =	seq.s32 s10, $0x1;
	s10 =	sld [smem:$0x3FB9];
	_ =	sdelay $0x3  }
0x37: {  	[smem:$0x3FB9] =	sst s10  }
0x38: {  	s10 =	sld [smem:$0x3FBA]  }
0x39: {  	_ = 	snop;
	(pc) =	sbr.ind lr, $3  }
0x3a: {  	_ = 	snop  }
0x3b: {  	_ = 	snop  }
0x3c: {  	p2 =	seq.s32 s10, $0x1;
	s10 =	sld [smem:$0x3FB9]  }
0x3d: {  	_ =	shalt  }
0x3e: {  	_ =	shalt  }
0x3f: {  	_ =	shalt  }
0x40: {  	_ =	shalt  }
0x41: {  	_ =	shalt  }
0x42: {  	_ =	shalt  }
0x43: {  	_ =	shalt  }
0x44: {  	_ =	shalt  }
0x45: {  	_ =	shalt  }
0x46: {  	_ =	shalt  }
0x47: {  	_ =	shalt  }
0x48: {  	_ =	shalt  }
0x49: {  	_ =	shalt  }
0x4a: {  	_ =	shalt  }
0x4b: {  	_ =	shalt  }
0x4c: {  	_ =	shalt  }
0x4d: {  	_ =	shalt  }
0x4e: {  	_ =	shalt  }
0x4f: {  	_ =	shalt  }
0x50: {  	_ =	shalt  }
0x51: {  	_ =	shalt  }
0x52: {  	_ =	shalt  }
0x53: {  	_ =	shalt  }
0x54: {  	_ =	shalt  }
0x55: {  	_ =	shalt  }
0x56: {  	_ =	shalt  }
0x57: {  	_ =	shalt  }
0x58: {  	_ =	shalt  }
0x59: {  	_ =	shalt  }
0x5a: {  	_ =	shalt  }
0x5b: {  	_ =	shalt  }
0x5c: {  	_ =	shalt  }
0x5d: {  	_ =	shalt  }
0x5e: {  	_ =	shalt  }
0x5f: {  	_ =	shalt  }
0x60: {  	_ =	shalt  }
0x61: {  	_ =	shalt  }
0x62: {  	_ =	shalt  }
0x63: {  	_ =	shalt  }
0x64: {  	_ =	shalt  }
0x65: {  	_ =	shalt  }
0x66: {  	_ =	shalt  }
0x67: {  	_ =	shalt  }
0x68: {  	_ =	shalt  }
0x69: {  	_ =	shalt  }
0x6a: {  	_ =	shalt  }
0x6b: {  	_ =	shalt  }
0x6c: {  	_ =	shalt  }
0x6d: {  	_ =	shalt  }
0x6e: {  	_ =	shalt  }
0x6f: {  	_ =	shalt  }
0x70: {  	_ =	shalt  }
0x71: {  	_ =	shalt  }
0x72: {  	_ =	shalt  }
0x73: {  	_ =	shalt  }
0x74: {  	_ =	shalt  }
0x75: {  	_ =	shalt  }
0x76: {  	_ =	shalt  }
0x77: {  	_ =	shalt  }
0x78: {  	_ =	shalt  }
0x79: {  	_ =	shalt  }
0x7a: {  	_ =	shalt  }
0x7b: {  	_ =	shalt  }
0x7c: {  	_ =	shalt  }
0x7d: {  	_ =	shalt  }
0x7e: {  	_ =	shalt  }
0x7f: {  	_ =	shalt  }
0x80: {  	_ =	shalt  }
0x81: {  	_ =	shalt  }
0x82: {  	_ =	shalt  }
0x83: {  	_ =	shalt  }
0x84: {  	_ =	shalt  }
0x85: {  	_ =	shalt  }
0x86: {  	_ =	shalt  }
0x87: {  	_ =	shalt  }
.Lfunc_end0:
.L_simem_size_0:
called_computation_lowered:
.L_overlay_start_0:
0x88: {  	s2 =	sld [smem:$0x3FD9]  }
0x89: {  	s3 =	sld [smem:$0x3FFE];
	_ =	sdelay $0x1  }
0x8a: {  	s1 =	srdreg.scid  }
0x8b: {  	s0 =	sand.u32 $0x1, s1  }
0x8c: {  	s15 =	sshll.u32 s0, $0xA;
	s2 =	sadd.s32 s3, s2  }
0x8d: {  	s2 =	sadd.s32 s2, s15  }
0x8e: {  	[smem:$0x3FC5] =	sst s2  }
0x8f: {  	_ = 	snop  }
0x90: {  	s2 =	sld [smem:$0x3FD0];
	_ =	sdelay $0x2  }
0x91: {  	s4 =	simm.s32 $0xA;
	s5 =	simm.s32 $0x10;
	s16 =	sld [smem:$0x3FC7]  }
0x92: {  	[smem:s5], [sflag:s4] =	dma.local [hbm:s2], $0x1  }
0x93: {  	_ =	swait.eq [sflag:s4], $0x1  }
0x94: {  	[sflag:s4] =	ssyncset.done $0x0  }
0x95: {  	s17 =	sld [smem:$0x10];
	[sflag:s4] =	ssyncadd.s32 $0xFFFFFFFF  }
0x96: {  	s18 =	sld [smem:$0x11];
	(tm) =	ssettm $0x1  }
0x97: {  	s19 =	sld [smem:$0x3FFB];
	_ =	sdelay $0x3  }
0x98: {  	_ =	strace s19  }
0x99: {  	s5 =	sld [smem:$0x3FFC];
	_ =	sdelay $0x3  }
0x9a: {  	_ =	strace s5  }
0x9b: {  	s5 =	sld [smem:$0x3FFD];
	_ =	sdelay $0x3  }
0x9c: {  	_ =	strace s5  }
0x9d: {  	_ =	strace $0x8FFFFFFF  }
0x9e: {  	s20 =	sld [smem:$0x3FDB];
	_ =	sdelay $0x1  }
0x9f: {  	s6 =	simm.s32 $_scs_section_size  }
0xa0: {  	s7 =	simm.s32 $_size__tile_overlayer_lowered;
	s8 =	simm.s32 $_tile_overlayer_lowered  }
0xa1: {  	s23 =	simm.s32 $0x1BFF;
	s22 =	sshll.u32 s8, $0x1;
	s5 =	sadd.s32 s6, s20  }
0xa2: {  	s9 =	simm.s32 $0x0;
	s21 =	sshll.u32 s7, $0x1;
	s7 =	sadd.s32 s22, s5  }
0xa3: {  	[timem:s9], [sflag:s23] =	dma.local [hbm:s7], s21  }
0xa4: {  	_ =	swait.ge [sflag:s23], s21  }
0xa5: {  	s6 =	ssub.s32 $0x0, s21;
	[sflag:s23] =	ssyncset.done $0x0  }
0xa6: {  	[sflag:s23] =	ssyncadd.s32 s6;
	_ =	sdelay $0x1  }
0xa7: {  	s24 =	simm.s32 $0x1B8B  }
0xa8: {  	_ =	swait.ge [sflag:s24], $0x1  }
0xa9: {  	[sflag:s24] =	ssyncset.done $0x0  }
0xaa: {  	s25 =	simm.s32 $0x1B8E;
	[sflag:s24] =	ssyncadd.s32 $0xFFFFFFFF  }
0xab: {  	s26 =	simm.s32 $execute0_lowered;
	[smem:$0x3FD2] =	sst s25  }
0xac: {  	s6 =	sshll.u32 s26, $0x1;
	_ =	strace $0x80000046;
	[dreg:$0x1] =	wrdreg $0xFFFFFFFF  }
0xad: {  	s28 =	simm.s32 $_size_execute0_lowered;
	s5 =	sadd.s32 s5, s6;
	[dreg:$0x0] =	wrdreg $0x0  }
0xae: {  	s6 =	sshll.u32 s28, $0x1;
	[dreg:$0x2] =	wrdreg s5  }
0xaf: {  	[dreg:$0x3] =	wrdreg s6  }
0xb0: {  	[dreg:$0x4] =	wrdreg $0xC0  }
0xb1: {  	_ =	task [dreg:s9], $0x5FFFF  }
0xb2: {  	[dreg:$0x1] =	wrdreg $0xFFFFFFFF  }
0xb3: {  	[dreg:$0x0] =	wrdreg $0x60  }
0xb4: {  	[dreg:$0x2] =	wrdreg s16  }
0xb5: {  	[dreg:$0x3] =	wrdreg s18  }
0xb6: {  	[dreg:$0x4] =	wrdreg s17  }
0xb7: {  	[dreg:$0x5] =	wrdreg $0x9  }
0xb8: {  	_ =	task.clear_ibuf [dreg:s9], $0x6FFFF;
	_ =	strace $0x90000046  }
0xb9: {  	s29 =	simm.s32 $0x9;
	_ =	strace $0x80000048  }
0xba: {  	_ =	swait.ge [sflag:s29], $0x1  }
0xbb: {  	[sflag:s29] =	ssyncadd.s32 $0xFFFFFFFF  }
0xbc: {  	_ =	strace $0x90000048  }
0xbd: {  	_ =	sfence  }
0xbe: {  	s30 =	sld [smem:$0x0];
	_ =	sdelay $0x2  }
0xbf: {  	s31 =	sshll.u32 s1, $0xD;
	s1 =	sshrl.u32 s1, $0x2  }
0xc0: {  	s3 =	sand.u32 $0x4000, s31;
	s1 =	sadd.s32 s1, s30  }
0xc1: {  	s0 =	sor.u32 s3, s0;
	s1 =	sshll.u32 s1, $0x11  }
0xc2: {  	s0 =	sor.u32 s1, s0  }
0xc3: {  	s0 =	sadd.s32 $0x8F2B, s0  }
0xc4: {  	[sflag:s0] =	ssyncadd.remote.s32 $0x1  }
0xc5: {  	_ =	sfence.sel $0xFFFF  }
0xc6: {  	[dreg:$0x0] =	wrdreg $0xFFFFFFFF;
	(pc) =	sbr.abs _section_cstart, $3  }
0xc7: {  	[dreg:$0x1] =	wrdreg $0xFFFFFFFF  }
0xc8: {  	_ =	task.clear_ibuf [dreg:s9], $0x2FFFF;
	_ =	strace $0x9FFFFFFF  }
0xc9: {  	(tm) =	ssettm $0x7FFFFFFF  }
tec
execute0_lowered:
.L_overlay_start_1:
0x0: {  	(tag) =	ssettag $0x1  }
0x1: {  	s0 =	rddreg [dreg:$0x0]  }
0x2: {  	s4 =	rddreg [dreg:$0x1]  }
0x3: {  	s5 =	rddreg [dreg:$0x2];
	s2 =	srdreg.scid  }
0x4: {  	s1 =	stileid.u32;
	s9 =	simm.s32 $0x0;
	s3 =	sand.u32 $0x1, s2  }
0x5: {  	s6 =	sshll.u32 s1, $0x1;
	s2 =	simm.s32 $0x0;
	s30 =	sshrl.u32 s1, $0x2  }
0x6: {  	s7 =	ssub.s32 $0x2, s3;
	s6 =	sand.u32 $0x6, s6;
	[smem:$0x7FF] =	sst s2  }
0x7: {  	s31 =	sshll.u32 s30, $0xF;
	s8 =	sshrl.u32 s7, $0x1;
	s6 =	sor.u32 s3, s6  }
0x8: {  	_ =	strace $0x80000047;
	s7 =	ssub.s32 s7, s8;
	s3 =	sshll.u32 s6, $0xA  }
0x9: {  	s8 =	sshll.u32 s30, $0x9;
	s6 =	sshll.u32 s6, $0xC;
	s3 =	sadd.s32 s0, s3  }
0xa: {  	s0 =	sadd.s32 s5, s31;
	s4 =	sadd.s32 s4, s8;
	s8 =	simm.s32 $0x3000  }
0xb: {  	s5 =	sadd.s32 s6, s0;
	s6 =	smax.u32 s7, $0x1;
	s7 =	simm.s32 $0x1  }
.LBB2_1:
0xc: {  	[tilespmem:s2], [sflag:$0x1] =	stream.linear.gather [hbm4b:s3+s2], $0x2000, $0x38;
	[tilespmem:$0xB000] =	vst v63  }
0xd: {  	_ =	swait.ge [sflag:s7], $0x2000  }
0xe: {  	[sflag:s7] =	ssyncset.done $0x0  }
0xf: {  	s0 =	simm.s32 $0x2000;
	[sflag:s7] =	ssyncadd.s32 $0xFFFFE000  }
0x10: {  	[tilespmem:s0], [sflag:$0x1] =	stream.linear.gather [hbm4b:s4+s2], $0x1000, $0x38;
	[tilespmem:$0xB000] =	vst v63  }
0x11: {  	s10 =	sand.u32 $0x40, s2;
	s11 =	sand.u32 $0xF80, s2;
	_ =	swait.ge [sflag:s7], $0x1000  }
0x12: {  	s11 =	sor.u32 $0x2000, s11;
	s12 =	sor.u32 $0x30, s10;
	[sflag:s7] =	ssyncset.done $0x0  }
0x13: {  	s13 =	sor.u32 s12, s11;
	[sflag:s7] =	ssyncadd.s32 $0xFFFFF000  }
0x14: {  	v0 =	vld [tilespmem:s13+$0x0]  }
0x15: {  	s22 =	sor.u32 $0x10, s10;
	v1 =	vld [tilespmem:s0+$0x0]  }
0x16: {  	s14 =	sor.u32 $0x20, s10;
	s23 =	sor.u32 s22, s11  }
0x17: {  	s11 =	sor.u32 s14, s11;
	v2 =	vld [tilespmem:s23+$0x0]  }
0x18: {  	v3 =	vld [tilespmem:s11+$0x0]  }
0x19: {  	v4 =	vshll.u32 v0, $0x3  }
0x1a: {  	v5 =	vshll.u32 v1, $0x3;
	v0 =	vand.u32 $0x7F, v0;
	v4 =	vand.u32 $0xFFFFFC00, v4  }
0x1b: {  	v1 =	vand.u32 $0x7F, v1;
	v6 =	vand.u32 $0xFFFFFC00, v5;
	v5 =	vor.u32 v0, v4  }
0x1c: {  	v0 =	vor.u32 v1, v6;
	v1 =	vshll.u32 v2, $0x3  }
0x1d: {  	v4 =	vshll.u32 v3, $0x3;
	v2 =	vand.u32 $0x7F, v2;
	v1 =	vand.u32 $0xFFFFFC00, v1  }
0x1e: {  	v6 =	vand.u32 $0xFFFFFC00, v4;
	v4 =	vor.u32 v2, v1;
	v1 =	vand.u32 $0x7F, v3  }
0x1f: {  	v3 =	vor.u32 v1, v6  }
0x20: {  	v1 =	vld.idx.msk [tilespmem:v5+s2+$0x0], $0xffff  }
0x21: {  	v6 =	vor.u32 $0x80, v5;
	v2 =	vld.idx.msk [tilespmem:v0+s2+$0x0], $0xffff  }
0x22: {  	s24 =	sand.u32 $0x7C00, s2;
	v7 =	vor.u32 $0x80, v0  }
0x23: {  	s25 =	sadd.s32 $0x3000, s24;
	v8 =	vld.idx.msk [tilespmem:v4+s2+$0x0], $0xffff  }
0x24: {  	s12 =	sor.u32 s12, s25;
	v9 =	vor.u32 $0x80, v4;
	v10 =	vld.idx.msk [tilespmem:v3+s2+$0x0], $0xffff  }
0x25: {  	s0 =	sor.u32 s10, s25;
	v11 =	vor.u32 $0x80, v3;
	[tilespmem:s12+$0x0] =	vst v1  }
0x26: {  	[tilespmem:s0+$0x0] =	vst v2;
	v1 =	vld.idx.msk [tilespmem:v6+s2+$0x0], $0xffff  }
0x27: {  	s13 =	sor.u32 s22, s25;
	v2 =	vld.idx.msk [tilespmem:v7+s2+$0x0], $0xffff;
	v6 =	vor.u32 $0x100, v5  }
0x28: {  	s11 =	sor.u32 s14, s25;
	v7 =	vor.u32 $0x100, v0;
	[tilespmem:s13+$0x0] =	vst v8  }
0x29: {  	v8 =	vld.idx.msk [tilespmem:v9+s2+$0x0], $0xffff;
	[tilespmem:s11+$0x0] =	vst v10  }
0x2a: {  	v9 =	vor.u32 $0x100, v4;
	v10 =	vld.idx.msk [tilespmem:v11+s2+$0x0], $0xffff  }
0x2b: {  	v11 =	vor.u32 $0x100, v3;
	[tilespmem:s12+$0x80] =	vst v1  }
0x2c: {  	[tilespmem:s0+$0x80] =	vst v2;
	v1 =	vld.idx.msk [tilespmem:v6+s2+$0x0], $0xffff  }
0x2d: {  	v2 =	vld.idx.msk [tilespmem:v7+s2+$0x0], $0xffff;
	v6 =	vor.u32 $0x180, v5  }
0x2e: {  	v7 =	vor.u32 $0x180, v0;
	[tilespmem:s13+$0x80] =	vst v8  }
0x2f: {  	v8 =	vld.idx.msk [tilespmem:v9+s2+$0x0], $0xffff;
	[tilespmem:s11+$0x80] =	vst v10  }
0x30: {  	s26 =	simm.s32 $0x2040;
	s10 =	simm.s32 $0x40;
	v9 =	vor.u32 $0x180, v4;
	v10 =	vld.idx.msk [tilespmem:v11+s2+$0x0], $0xffff  }
0x31: {  	s28 =	sand.u32 $0x40, s10;
	s15 =	sand.u32 $0xF80, s10;
	v11 =	vld [tilespmem:s26+$0x0];
	[tilespmem:s12+$0x100] =	vst v1  }
0x32: {  	s17 =	sor.u32 $0x2000, s15;
	s18 =	sor.u32 $0x30, s28;
	[tilespmem:s0+$0x100] =	vst v2;
	v1 =	vld.idx.msk [tilespmem:v6+s2+$0x0], $0xffff  }
0x33: {  	s16 =	sor.u32 s18, s17;
	v2 =	vor.u32 $0x180, v3;
	v6 =	vld.idx.msk [tilespmem:v7+s2+$0x0], $0xffff  }
0x34: {  	s29 =	sor.u32 $0x10, s28;
	v7 =	vor.u32 $0x200, v5;
	[tilespmem:s13+$0x100] =	vst v8;
	v8 =	vld [tilespmem:s16+$0x0]  }
0x35: {  	s30 =	sor.u32 $0x20, s28;
	s19 =	sor.u32 s29, s17;
	v9 =	vld.idx.msk [tilespmem:v9+s2+$0x0], $0xffff  }
0x36: {  	s17 =	sor.u32 s30, s17;
	v13 =	vld [tilespmem:s19+$0x0];
	v12 =	vor.u32 $0x200, v4;
	v14 =	vshll.u32 v11, $0x3  }
0x37: {  	v15 =	vld [tilespmem:s17+$0x0];
	[tilespmem:s11+$0x100] =	vst v10;
	v10 =	vor.u32 $0x200, v0;
	v11 =	vand.u32 $0x7F, v11;
	v14 =	vand.u32 $0xFFFFFC00, v14  }
0x38: {  	p0 =	por $0x0, $0x0;
	v16 =	vld.idx.msk [tilespmem:v2+s2+$0x0], $0xffff;
	[tilespmem:s12+$0x180] =	vst v1;
	v1 =	vor.u32 v11, v14;
	s12 =	simm.s32 $0x1  }
0x39: {  	v11 =	vor.u32 $0x200, v3;
	v7 =	vld.idx.msk [tilespmem:v7+s2+$0x0], $0xffff;
	v2 =	vshll.u32 v8, $0x3;
	s12 =	simm.s32 @!p0 $0x0  }
0x3a: {  	v8 =	vand.u32 $0x7F, v8;
	[tilespmem:s13+$0x180] =	vst v9;
	v2 =	vand.u32 $0xFFFFFC00, v2;
	s12 =	sshll.u32 s12, $0x6;
	v9 =	vor.u32 $0x280, v5  }
0x3b: {  	v14 =	vor.u32 $0x280, v4;
	[tilespmem:s0+$0x180] =	vst v6;
	v6 =	vld.idx.msk [tilespmem:v12+s2+$0x0], $0xffff;
	v12 =	vshll.u32 v13, $0x3;
	v2 =	vor.u32 v8, v2;
	s12 =	sadd.s32 $0x0, s12  }
0x3c: {  	v8 =	vld.idx.msk [tilespmem:v10+s2+$0x0], $0xffff;
	v10 =	vshll.u32 v15, $0x3;
	v13 =	vand.u32 $0x7F, v13;
	v12 =	vand.u32 $0xFFFFFC00, v12;
	s13 =	sadd.s32 $0x30, s12  }
0x3d: {  	v10 =	vand.u32 $0xFFFFFC00, v10;
	[tilespmem:s11+$0x180] =	vst v16;
	v17 =	vld.idx.msk [tilespmem:v1+s2+$0x0], $0xffff;
	v21 =	vor.u32 v13, v12;
	v12 =	vand.u32 $0x7F, v15;
	s31 =	sor.u32 $0x200, s13  }
0x3e: {  	s1 =	sadd.s32 $0x10, s12;
	v11 =	vld.idx.msk [tilespmem:v11+s2+$0x0], $0xffff;
	v10 =	vor.u32 v12, v10;
	[tilespmem:s31+$0x3000] =	vst v7  }
0x3f: {  	s19 =	sor.u32 $0x200, s1;
	v7 =	vor.u32 $0x280, v0;
	v9 =	vld.idx.msk [tilespmem:v9+s2+$0x0], $0xffff  }
0x40: {  	s20 =	sor.u32 $0x200, s12;
	s11 =	simm.s32 $0x200;
	v12 =	vor.u32 $0x280, v3;
	v13 =	vld.idx.msk [tilespmem:v2+s2+$0x0], $0xffff;
	[tilespmem:s19+$0x3000] =	vst v6  }
0x41: {  	s23 =	sadd.s32 $0x20, s12;
	s22 =	sand.u32 $0x7C00, s11;
	[tilespmem:s20+$0x3000] =	vst v8;
	v8 =	vor.u32 $0x80, v1;
	v6 =	vld.idx.msk [tilespmem:v14+s2+$0x0], $0xffff  }
0x42: {  	s21 =	sor.u32 $0x200, s23;
	s0 =	sadd.s32 $0x3000, s22;
	v14 =	vor.u32 $0x300, v5;
	v15 =	vld.idx.msk [tilespmem:v21+s2+$0x0], $0xffff  }
0x43: {  	v16 =	vor.u32 $0x80, v2;
	s19 =	sor.u32 s28, s0;
	[tilespmem:s21+$0x3000] =	vst v11;
	v18 =	vld.idx.msk [tilespmem:v10+s2+$0x0], $0xffff  }
0x44: {  	s24 =	sor.u32 $0x280, s13;
	v19 =	vor.u32 $0x80, v21;
	[tilespmem:s19+$0x0] =	vst v17;
	v22 =	vld.idx.msk [tilespmem:v7+s2+$0x0], $0xffff  }
0x45: {  	s22 =	sor.u32 s18, s0;
	v7 =	vor.u32 $0x80, v10;
	v11 =	vld.idx.msk [tilespmem:v12+s2+$0x0], $0xffff;
	[tilespmem:s24+$0x3000] =	vst v9  }
0x46: {  	s25 =	sor.u32 $0x280, s1;
	v9 =	vor.u32 $0x300, v4;
	[tilespmem:s22+$0x0] =	vst v13;
	v8 =	vld.idx.msk [tilespmem:v8+s2+$0x0], $0xffff  }
0x47: {  	s21 =	sor.u32 s29, s0;
	v13 =	vor.u32 $0x300, v3;
	v12 =	vld.idx.msk [tilespmem:v14+s2+$0x0], $0xffff;
	[tilespmem:s25+$0x3000] =	vst v6  }
0x48: {  	s15 =	sor.u32 s30, s0;
	v5 =	vor.u32 $0x380, v5;
	v16 =	vld.idx.msk [tilespmem:v16+s2+$0x0], $0xffff;
	[tilespmem:s21+$0x0] =	vst v15  }
0x49: {  	s26 =	sor.u32 $0x280, s23;
	v17 =	vor.u32 $0x100, v2;
	v15 =	vld.idx.msk [tilespmem:v19+s2+$0x0], $0xffff;
	[tilespmem:s15+$0x0] =	vst v18  }
0x4a: {  	s29 =	sor.u32 $0x280, s12;
	v18 =	vor.u32 $0x100, v1;
	[tilespmem:s26+$0x3000] =	vst v11;
	v7 =	vld.idx.msk [tilespmem:v7+s2+$0x0], $0xffff  }
0x4b: {  	s28 =	sor.u32 $0x300, s13;
	v6 =	vor.u32 $0x100, v21;
	[tilespmem:s29+$0x3000] =	vst v22;
	v23 =	vld.idx.msk [tilespmem:v9+s2+$0x0], $0xffff  }
0x4c: {  	v20 =	vor.u32 $0x100, v10;
	v14 =	vld.idx.msk [tilespmem:v13+s2+$0x0], $0xffff;
	[tilespmem:s28+$0x3000] =	vst v12  }
0x4d: {  	[tilespmem:s22+$0x80] =	vst v16;
	v16 =	vor.u32 $0x300, v0;
	v24 =	vld.idx.msk [tilespmem:v5+s2+$0x0], $0xffff  }
0x4e: {  	v25 =	vor.u32 $0x380, v4;
	[tilespmem:s19+$0x80] =	vst v8;
	v19 =	vld.idx.msk [tilespmem:v17+s2+$0x0], $0xffff  }
0x4f: {  	v4 =	vor.u32 $0x380, v21;
	v17 =	vld.idx.msk [tilespmem:v18+s2+$0x0], $0xffff;
	[tilespmem:s21+$0x80] =	vst v15  }
0x50: {  	v11 =	vor.u32 $0x200, v21;
	v22 =	vor.u32 $0x180, v2;
	v13 =	vor.u32 $0x180, v21;
	v18 =	vld.idx.msk [tilespmem:v6+s2+$0x0], $0xffff;
	[tilespmem:s15+$0x80] =	vst v7  }
0x51: {  	s14 =	simm.s32 $0x4;
	s16 =	simm.s32 $0x2080;
	s30 =	sor.u32 $0x300, s1;
	v8 =	vor.u32 $0x280, v21;
	v6 =	vor.u32 $0x300, v21;
	v21 =	vor.u32 $0x180, v1;
	v20 =	vld.idx.msk [tilespmem:v20+s2+$0x0], $0xffff  }
0x52: {  	s17 =	sor.u32 $0x380, s1;
	s31 =	sor.u32 $0x380, s13;
	s18 =	sor.u32 $0x300, s12;
	v3 =	vor.u32 $0x380, v3;
	v9 =	vor.u32 $0x200, v10;
	v12 =	vor.u32 $0x180, v10;
	[tilespmem:s30+$0x3000] =	vst v23;
	v15 =	vld.idx.msk [tilespmem:v16+s2+$0x0], $0xffff  }
0x53: {  	s20 =	sor.u32 $0x300, s23;
	s13 =	sor.u32 $0x380, s23;
	s12 =	sor.u32 $0x380, s12;
	v5 =	vor.u32 $0x300, v10;
	v7 =	vor.u32 $0x280, v10;
	v10 =	vor.u32 $0x380, v10;
	v16 =	vld.idx.msk [tilespmem:v25+s2+$0x0], $0xffff;
	[tilespmem:s31+$0x3000] =	vst v24  }
.LBB2_2:
0x54: {  	v23 =	vld [tilespmem:s16+$0x0];
	[tilespmem:s22+$0x100] =	vst v19;
	s10 =	sadd.s32 $0x40, s10  }
0x55: {  	s14 =	sadd.s32 $0x4, s14;
	s23 =	sand.u32 $0x40, s10;
	s0 =	sand.u32 $0xF80, s10;
	[tilespmem:s19+$0x100] =	vst v17;
	v17 =	vld.idx.msk [tilespmem:v22+s2+$0x0], $0xffff  }
0x56: {  	p1 =	slt.u32 s14, $0xFC;
	s0 =	sor.u32 $0x2000, s0;
	s24 =	sor.u32 $0x30, s23;
	v19 =	vld.idx.msk [tilespmem:v21+s2+$0x0], $0xffff;
	[tilespmem:s21+$0x100] =	vst v18  }
0x57: {  	s26 =	sor.u32 $0x10, s23;
	s25 =	sor.u32 $0x20, s23;
	v18 =	vor.u32 $0x200, v2;
	s28 =	sor.u32 s24, s0;
	v13 =	vld.idx.msk [tilespmem:v13+s2+$0x0], $0xffff;
	[tilespmem:s15+$0x100] =	vst v20  }
0x58: {  	v21 =	vor.u32 $0x200, v1;
	s29 =	sor.u32 s26, s0;
	s0 =	sor.u32 s25, s0;
	v20 =	vld [tilespmem:s28+$0x0];
	[tilespmem:s20+$0x3000] =	vst v14  }
0x59: {  	v14 =	vld [tilespmem:s29+$0x0];
	[tilespmem:s18+$0x3000] =	vst v15  }
0x5a: {  	v15 =	vshll.u32 v23, $0x3;
	v22 =	vld [tilespmem:s0+$0x0];
	[tilespmem:s17+$0x3000] =	vst v16  }
0x5b: {  	v16 =	vand.u32 $0x7F, v23;
	v15 =	vand.u32 $0xFFFFFC00, v15;
	v12 =	vld.idx.msk [tilespmem:v12+s2+$0x0], $0xffff;
	[tilespmem:s22+$0x180] =	vst v17;
	v17 =	vor.u32 $0x380, v0;
	v0 =	vmovc v1  }
0x5c: {  	p0 =	por !p0, !p0;
	s0 =	simm.s32 $0x1;
	v1 =	vor.u32 v16, v15;
	[tilespmem:s19+$0x180] =	vst v19;
	v15 =	vld.idx.msk [tilespmem:v18+s2+$0x0], $0xffff  }
0x5d: {  	s0 =	simm.s32 @!p0 $0x0;
	v16 =	vshll.u32 v20, $0x3;
	v18 =	vld.idx.msk [tilespmem:v21+s2+$0x0], $0xffff;
	[tilespmem:s21+$0x180] =	vst v13  }
0x5e: {  	s0 =	sshll.u32 s0, $0x6;
	v13 =	vand.u32 $0x7F, v20;
	v16 =	vand.u32 $0xFFFFFC00, v16;
	v19 =	vld.idx.msk [tilespmem:v11+s2+$0x0], $0xffff;
	v11 =	vor.u32 $0x280, v2  }
0x5f: {  	s19 =	sadd.s32 s0, s11;
	v20 =	vshll.u32 v14, $0x3;
	v21 =	vshll.u32 v22, $0x3;
	v16 =	vor.u32 v13, v16;
	v23 =	vld.idx.msk [tilespmem:v3+s2+$0x0], $0xffff;
	v3 =	vmovc v10  }
0x60: {  	s17 =	sadd.s32 $0x10, s19;
	s21 =	sadd.s32 $0x20, s19;
	s28 =	sadd.s32 $0x30, s19;
	v10 =	vand.u32 $0x7F, v14;
	v13 =	vand.u32 $0xFFFFFC00, v20;
	v14 =	vand.u32 $0xFFFFFC00, v21;
	v17 =	vld.idx.msk [tilespmem:v17+s2+$0x0], $0xffff  }
0x61: {  	s22 =	sor.u32 $0x200, s17;
	s18 =	sor.u32 $0x200, s28;
	v10 =	vor.u32 v10, v13;
	v13 =	vand.u32 $0x7F, v22;
	v21 =	vor.u32 $0x280, v0;
	v20 =	vld.idx.msk [tilespmem:v1+s2+$0x0], $0xffff;
	[tilespmem:s15+$0x180] =	vst v12;
	s15 =	sor.u32 $0x200, s21  }
0x62: {  	s20 =	sor.u32 $0x200, s19;
	s0 =	sor.u32 $0x280, s17;
	s31 =	sor.u32 $0x280, s21;
	v22 =	vor.u32 $0x80, v10;
	v24 =	vor.u32 $0x100, v10;
	v14 =	vor.u32 v13, v14;
	v25 =	vld.idx.msk [tilespmem:v9+s2+$0x0], $0xffff;
	[tilespmem:s18+$0x3000] =	vst v15  }
0x63: {  	s30 =	sor.u32 $0x280, s19;
	s29 =	sor.u32 $0x300, s17;
	v13 =	vor.u32 $0x180, v10;
	v15 =	vor.u32 $0x80, v14;
	v26 =	vor.u32 $0x100, v14;
	[tilespmem:s20+$0x3000] =	vst v18;
	s20 =	sor.u32 $0x300, s21;
	v18 =	vld.idx.msk [tilespmem:v11+s2+$0x0], $0xffff  }
0x64: {  	s17 =	sor.u32 $0x380, s17;
	v12 =	vor.u32 $0x180, v14;
	v9 =	vor.u32 $0x200, v14;
	s18 =	sor.u32 $0x300, s19;
	v11 =	vor.u32 $0x200, v10;
	s21 =	sor.u32 $0x380, s21;
	v27 =	vld.idx.msk [tilespmem:v16+s2+$0x0], $0xffff;
	[tilespmem:s22+$0x3000] =	vst v19  }
0x65: {  	v29 =	vor.u32 $0x300, v2;
	s19 =	sor.u32 $0x380, s19;
	v19 =	vor.u32 $0x280, v14;
	v28 =	vld.idx.msk [tilespmem:v8+s2+$0x0], $0xffff;
	v8 =	vor.u32 $0x280, v10;
	[tilespmem:s13+$0x3000] =	vst v23;
	s13 =	smov.u32 s21  }
0x66: {  	s11 =	sadd.s32 $0x200, s11;
	v32 =	vor.u32 $0x80, v16;
	v30 =	vor.u32 $0x300, v10;
	v31 =	vor.u32 $0x300, v14;
	v23 =	vld.idx.msk [tilespmem:v10+s2+$0x0], $0xffff;
	[tilespmem:s12+$0x3000] =	vst v17;
	s12 =	smov.u32 s19  }
0x67: {  	v33 =	vor.u32 $0x380, v10;
	s19 =	sand.u32 $0x7C00, s11;
	v17 =	vor.u32 $0x80, v1;
	v10 =	vor.u32 $0x380, v14;
	v34 =	vld.idx.msk [tilespmem:v14+s2+$0x0], $0xffff  }
0x68: {  	s1 =	sadd.s32 $0x3000, s19;
	v35 =	vld.idx.msk [tilespmem:v21+s2+$0x0], $0xffff;
	[tilespmem:s15+$0x3000] =	vst v25;
	s15 =	sor.u32 $0x280, s28  }
0x69: {  	s19 =	sor.u32 s23, s1;
	s21 =	sor.u32 s26, s1;
	s22 =	sor.u32 s24, s1;
	v14 =	vld.idx.msk [tilespmem:v7+s2+$0x0], $0xffff;
	[tilespmem:s15+$0x3000] =	vst v18;
	v7 =	vmov v19  }
0x6a: {  	s15 =	sor.u32 s25, s1;
	[tilespmem:s22+$0x0] =	vst v27;
	v18 =	vld.idx.msk [tilespmem:v29+s2+$0x0], $0xffff  }
0x6b: {  	[tilespmem:s19+$0x0] =	vst v20;
	v19 =	vld.idx.msk [tilespmem:v32+s2+$0x0], $0xffff  }
0x6c: {  	v20 =	vor.u32 $0x380, v2;
	v2 =	vmov v16;
	v17 =	vld.idx.msk [tilespmem:v17+s2+$0x0], $0xffff;
	[tilespmem:s21+$0x0] =	vst v23  }
0x6d: {  	v21 =	vor.u32 $0x100, v2;
	v16 =	vld.idx.msk [tilespmem:v22+s2+$0x0], $0xffff;
	[tilespmem:s15+$0x0] =	vst v34  }
0x6e: {  	v22 =	vor.u32 $0x100, v1;
	v15 =	vld.idx.msk [tilespmem:v15+s2+$0x0], $0xffff;
	[tilespmem:s0+$0x3000] =	vst v28  }
0x6f: {  	s0 =	sor.u32 $0x300, s28;
	v23 =	vld.idx.msk [tilespmem:v6+s2+$0x0], $0xffff;
	[tilespmem:s31+$0x3000] =	vst v14;
	v6 =	vmov v30  }
0x70: {  	v14 =	vld.idx.msk [tilespmem:v5+s2+$0x0], $0xffff;
	[tilespmem:s0+$0x3000] =	vst v18;
	v5 =	vmov v31  }
0x71: {  	v25 =	vor.u32 $0x300, v0;
	[tilespmem:s22+$0x80] =	vst v19;
	v27 =	vld.idx.msk [tilespmem:v20+s2+$0x0], $0xffff  }
0x72: {  	[tilespmem:s19+$0x80] =	vst v17;
	v19 =	vld.idx.msk [tilespmem:v21+s2+$0x0], $0xffff  }
.Ltmp0:
0x73: {  	v17 =	vld.idx.msk [tilespmem:v22+s2+$0x0], $0xffff;
	[tilespmem:s21+$0x80] =	vst v16;
	(pc) =	sbr.rel @p1 .LBB2_2-.Ltmp0, $4  }
0x74: {  	v22 =	vor.u32 $0x180, v2;
	v18 =	vld.idx.msk [tilespmem:v24+s2+$0x0], $0xffff;
	[tilespmem:s15+$0x80] =	vst v15  }
0x75: {  	v21 =	vor.u32 $0x180, v1;
	v20 =	vld.idx.msk [tilespmem:v26+s2+$0x0], $0xffff;
	[tilespmem:s30+$0x3000] =	vst v35  }
0x76: {  	s0 =	sor.u32 $0x380, s28;
	v15 =	vld.idx.msk [tilespmem:v25+s2+$0x0], $0xffff;
	[tilespmem:s29+$0x3000] =	vst v23  }
0x77: {  	s16 =	sadd.s32 $0x40, s16;
	v16 =	vld.idx.msk [tilespmem:v4+s2+$0x0], $0xffff;
	[tilespmem:s0+$0x3000] =	vst v27;
	v4 =	vmov v33  }
0x78: {  	_ =	sdelay $0x2  }
0x79: {  	[tilespmem:s22+$0x100] =	vst v19  }
0x7a: {  	[tilespmem:s19+$0x100] =	vst v17;
	v19 =	vld.idx.msk [tilespmem:v22+s2+$0x0], $0xffff  }
0x7b: {  	v53 =	vor.u32 $0x200, v2;
	[tilespmem:s21+$0x100] =	vst v18;
	v17 =	vld.idx.msk [tilespmem:v21+s2+$0x0], $0xffff  }
0x7c: {  	v54 =	vor.u32 $0x200, v1;
	v13 =	vld.idx.msk [tilespmem:v13+s2+$0x0], $0xffff;
	[tilespmem:s15+$0x100] =	vst v20  }
0x7d: {  	v12 =	vld.idx.msk [tilespmem:v12+s2+$0x0], $0xffff;
	_ =	sdelay $0x1  }
0x7e: {  	p0 =	por !p0, !p0;
	s0 =	simm.s32 $0x1;
	[tilespmem:s22+$0x180] =	vst v19  }
0x7f: {  	s0 =	simm.s32 @!p0 $0x0;
	[tilespmem:s19+$0x180] =	vst v17;
	v18 =	vld.idx.msk [tilespmem:v53+s2+$0x0], $0xffff  }
0x80: {  	v55 =	vor.u32 $0x280, v2;
	s0 =	sshll.u32 s0, $0x6;
	[tilespmem:s21+$0x180] =	vst v13;
	v56 =	vld.idx.msk [tilespmem:v54+s2+$0x0], $0xffff  }
0x81: {  	v57 =	vor.u32 $0x280, v1;
	s0 =	sadd.s32 s0, s11;
	v11 =	vld.idx.msk [tilespmem:v11+s2+$0x0], $0xffff;
	[tilespmem:s15+$0x180] =	vst v12  }
0x82: {  	s1 =	sadd.s32 $0x30, s0;
	v9 =	vld.idx.msk [tilespmem:v9+s2+$0x0], $0xffff  }
0x83: {  	s15 =	sor.u32 $0x200, s1  }
0x84: {  	s10 =	sadd.s32 $0x10, s0;
	s21 =	sor.u32 $0x200, s0;
	[tilespmem:s15+$0x3000] =	vst v18  }
0x85: {  	s14 =	sadd.s32 $0x20, s0;
	s16 =	sor.u32 $0x200, s10;
	[tilespmem:s21+$0x3000] =	vst v56;
	v13 =	vld.idx.msk [tilespmem:v55+s2+$0x0], $0xffff  }
0x86: {  	v58 =	vor.u32 $0x300, v2;
	s19 =	sor.u32 $0x200, s14;
	[tilespmem:s16+$0x3000] =	vst v11;
	v59 =	vld.idx.msk [tilespmem:v57+s2+$0x0], $0xffff  }
0x87: {  	v60 =	vor.u32 $0x300, v1;
	v8 =	vld.idx.msk [tilespmem:v8+s2+$0x0], $0xffff;
	[tilespmem:s19+$0x3000] =	vst v9  }
0x88: {  	v7 =	vld.idx.msk [tilespmem:v7+s2+$0x0], $0xffff  }
0x89: {  	[tilespmem:s20+$0x3000] =	vst v14;
	s22 =	sor.u32 $0x280, s1  }
0x8a: {  	s25 =	sor.u32 $0x280, s0;
	[tilespmem:s22+$0x3000] =	vst v13  }
0x8b: {  	v0 =	vor.u32 $0x380, v0;
	s23 =	sor.u32 $0x280, s10;
	[tilespmem:s25+$0x3000] =	vst v59;
	v11 =	vld.idx.msk [tilespmem:v58+s2+$0x0], $0xffff  }
0x8c: {  	v61 =	vor.u32 $0x380, v2;
	s24 =	sor.u32 $0x280, s14;
	[tilespmem:s23+$0x3000] =	vst v8;
	v62 =	vld.idx.msk [tilespmem:v60+s2+$0x0], $0xffff  }
0x8d: {  	v63 =	vor.u32 $0x380, v1;
	v6 =	vld.idx.msk [tilespmem:v6+s2+$0x0], $0xffff;
	[tilespmem:s24+$0x3000] =	vst v7  }
0x8e: {  	[tilespmem:s18+$0x3000] =	vst v15;
	v5 =	vld.idx.msk [tilespmem:v5+s2+$0x0], $0xffff  }
0x8f: {  	v3 =	vld.idx.msk [tilespmem:v3+s2+$0x0], $0xffff;
	[tilespmem:s17+$0x3000] =	vst v16;
	s26 =	sor.u32 $0x300, s1  }
0x90: {  	s30 =	sor.u32 $0x300, s0;
	v0 =	vld.idx.msk [tilespmem:v0+s2+$0x0], $0xffff;
	[tilespmem:s26+$0x3000] =	vst v11  }
0x91: {  	s28 =	sor.u32 $0x300, s10;
	[tilespmem:s30+$0x3000] =	vst v62;
	v2 =	vld.idx.msk [tilespmem:v61+s2+$0x0], $0xffff  }
0x92: {  	s29 =	sor.u32 $0x300, s14;
	[tilespmem:s28+$0x3000] =	vst v6;
	v1 =	vld.idx.msk [tilespmem:v63+s2+$0x0], $0xffff  }
0x93: {  	v4 =	vld.idx.msk [tilespmem:v4+s2+$0x0], $0xffff;
	[tilespmem:s29+$0x3000] =	vst v5  }
0x94: {  	[tilespmem:s13+$0x3000] =	vst v3;
	v5 =	vld.idx.msk [tilespmem:v10+s2+$0x0], $0xffff  }
0x95: {  	s1 =	sor.u32 $0x380, s1;
	[tilespmem:s12+$0x3000] =	vst v0  }
0x96: {  	s0 =	sor.u32 $0x380, s0;
	[tilespmem:s1+$0x3000] =	vst v2  }
0x97: {  	s9 =	sadd.s32 $0x1, s9;
	s10 =	sor.u32 $0x380, s10;
	[tilespmem:s0+$0x3000] =	vst v1  }
0x98: {  	p0 =	sne.s32 s9, s6;
	s31 =	sor.u32 $0x380, s14;
	[tilespmem:s10+$0x3000] =	vst v4  }
.Ltmp1:
0x99: {  	[tilespmem:s31+$0x3000] =	vst v5;
	(pc) =	sbr.rel @p0 .LBB2_1-.Ltmp1, $4  }
0x9a: {  	[hbm4b:s5+s2] =	stream.linear.scatter [tilespmem:s8], [sflag:$0x1], $0x8000, $0x38;
	[tilespmem:$0xB000] =	vst v63  }
0x9b: {  	_ =	swait.ge [sflag:s7], $0x8000  }
0x9c: {  	[sflag:s7] =	ssyncset.done $0x0  }
0x9d: {  	[sflag:s7] =	ssyncadd.s32 $0xFFFF8000  }
0x9e: {  	_ =	sfence.sel $0x180000  }
0x9f: {  	[bflag:$0x0] =	sbarrier.arrive $0xFFFF  }
0xa0: {  	_ =	strace $0x90000047  }
0xa1: {  	s0 =	stileid.u32;
	[bflag:$0x2] =	sbarrier.arrive $0xFFFF  }
0xa2: {  	p0 =	sne.s32 s0, $0x0;
	s0 =	rddreg [dreg:$0x3]  }
0xa3: {  	s0 =	sadd.s32 @!p0 $0x100000, s0  }
0xa4: {  	[sflag:s0] =	ssyncadd.tile.s32 @!p0 $0x1;
	_ =	shalt  }
.Lfunc_end2:
_tile_overlayer_lowered:
.L_overlay_start_2:
0xa5: {  	(tag) =	ssettag $0x2  }
0xa6: {  	s0 =	rddreg [dreg:$0x0];
	s2 =	stileid.u32  }
0xa7: {  	s1 =	rddreg [dreg:$0x1];
	p0 =	sne.s32 s2, $0x0  }
0xa8: {  	s3 =	rddreg [dreg:$0x2];
	[bflag:$0x3] =	sbarrier.arrive $0xFFFF;
	s2 =	simm.s32 @!p0 $0x1C01  }
0xa9: {  	[timem:s3], [sflag:s2] =	dma.local @!p0 [hbm:s0], s1  }
0xaa: {  	s0 =	simm.s32 @!p0 $0x1  }
0xab: {  	_ =	swait.ge @!p0 [sflag:s0], s1  }
0xac: {  	s1 =	ssub.s32 @!p0 $0x0, s1;
	[sflag:s0] =	ssyncset.done @!p0 $0x0  }
0xad: {  	[sflag:s0] =	ssyncadd.s32 @!p0 s1  }
0xae: {  	[bflag:$0x3] =	sbarrier.arrive $0xFFFF  }
0xaf: {  	_ =	shalt  }

</sc_bundles>
